<compile_context>
chip_gen: v7x
topology: tpu7x:2x2x1
jax: 0.10.2.dev20260603
libtpu: 0.0.44.dev20260713+nightly
codegen_flags: <defaults>
</compile_context>

<pallas_src>
import functools

import jax
import jax.numpy as jnp
from jax import lax
from jax.experimental import pallas as pl
from jax.experimental.pallas import tpu as pltpu
from jax.experimental.pallas import tpu_sc as plsc

VOCAB = 100000
EMBED_DIM = 128
NUM_CLASSES = 2
BATCH_N = 4096
SEQ_LEN = 200

BK = 2048
N_BLOCKS = 49
VOCAB_PAD = BK * N_BLOCKS
N_TILES = 16
ROWS_PER_TILE = BATCH_N // N_TILES
GROUPS = ROWS_PER_TILE // 16


def _tc_project(w_ref, t_ref, o_ref):
    o_ref[...] = lax.dot_general(
        w_ref[...], t_ref[...],
        dimension_numbers=(((0,), (1,)), ((), ())),
        preferred_element_type=jnp.float32,
    ) * (1.0 / SEQ_LEN)


def _sc_pool(pt_hbm, x_hbm, b_hbm, out_hbm, p_v, x_v, res_v, b_v):
    cls = lax.axis_index("c")
    tile = lax.axis_index("s")
    base = tile * ROWS_PER_TILE
    pltpu.sync_copy(pt_hbm.at[cls], p_v)
    pltpu.sync_copy(b_hbm.at[cls], b_v)
    lanes = lax.iota(jnp.int32, 16)

    def group_body(g, carry):
        pltpu.sync_copy(x_hbm.at[pl.ds((base + g * 16) * SEQ_LEN, 16 * SEQ_LEN)],
                        x_v)
        row_off = lanes * SEQ_LEN

        def seq_body(s, acc):
            xv = plsc.load_gather(x_v, [row_off + s])
            return acc + plsc.load_gather(p_v, [xv])

        res_v[pl.ds(g * 16, 16)] = lax.fori_loop(0, SEQ_LEN, seq_body, b_v[...])
        return carry

    lax.fori_loop(0, GROUPS, group_body, 0)
    pltpu.sync_copy(res_v, out_hbm.at[cls, pl.ds(base, ROWS_PER_TILE)])


def kernel(x, embed_table, W, b):
    pt = pl.pallas_call(
        _tc_project,
        grid=(N_BLOCKS,),
        in_specs=[
            pl.BlockSpec((EMBED_DIM, NUM_CLASSES), lambda i: (0, 0)),
            pl.BlockSpec((BK, EMBED_DIM), lambda i: (i, 0)),
        ],
        out_specs=pl.BlockSpec((NUM_CLASSES, BK), lambda i: (0, i)),
        out_shape=jax.ShapeDtypeStruct((NUM_CLASSES, VOCAB_PAD), jnp.float32),
    )(W, embed_table)

    b16 = jnp.broadcast_to(b[:, None], (NUM_CLASSES, 16))

    sc_fn = pl.kernel(
        _sc_pool,
        mesh=plsc.VectorSubcoreMesh(core_axis_name="c", subcore_axis_name="s"),
        out_type=jax.ShapeDtypeStruct((NUM_CLASSES, BATCH_N), jnp.float32),
        scratch_types=[
            pltpu.VMEM((VOCAB_PAD,), jnp.float32),
            pltpu.VMEM((16 * SEQ_LEN,), jnp.int32),
            pltpu.VMEM((ROWS_PER_TILE,), jnp.float32),
            pltpu.VMEM((16,), jnp.float32),
        ],
        compiler_params=pltpu.CompilerParams(needs_layout_passes=False),
    )
    out_t = sc_fn(pt, x.reshape(-1), b16)
    return out_t.T

# --- scband reference (transcript-rebuilt; emitter-appended) ---
"""Pipeline reference for scband-text-lr-4879082848367 (READ-ONLY COPY).

The authoritative reference and input builder live on the scoring server;
editing this copy changes nothing except your own understanding.
"""

import jax, jax.numpy as jnp
import numpy as np

VOCAB = 100000
EMBED_DIM = 128
NUM_CLASSES = 2
BATCH = 4096
SEQ = 200

def setup_inputs(seed: int = 0) -> dict:
    key = jax.random.key(seed)
    k1, k2, k3, k4 = jax.random.split(key, 4)
    x = jax.random.randint(k1, (BATCH, SEQ), 0, VOCAB, dtype=jnp.int64 if jax.config.read('jax_enable_x64') else jnp.int32)
    embed_table = jax.random.normal(k2, (VOCAB, EMBED_DIM), dtype=jnp.float32)
    # Linear layer params (torch nn.Linear default init: U(-1/sqrt(fan_in), 1/sqrt(fan_in)))
    bound = 1.0 / np.sqrt(EMBED_DIM)
    W = jax.random.uniform(k3, (EMBED_DIM, NUM_CLASSES), dtype=jnp.float32, minval=-bound, maxval=bound)
    b = jax.random.uniform(k4, (NUM_CLASSES,), dtype=jnp.float32, minval=-bound, maxval=bound)
    return {"x": x, "embed_table": embed_table, "W": W, "b": b}

def reference(x, embed_table, W, b):
    # Embedding lookup: gather rows of the table -> [B, S, D]
    e = jnp.take(embed_table, x, axis=0)
    # Mean over the sequence dimension -> [B, D]
    m = jnp.mean(e, axis=1)
    # Dropout is identity at inference; classifier linear -> [B, C]
    out = m @ W + b
    return out

if __name__ == "__main__":
    import jax
    _d = setup_inputs()
    print(jax.jit(kernel)(*tuple(_d.values())))

</pallas_src>

<mosaic_0001>
#map = affine_map<(d0, d1) -> (0, 0)>
#map1 = affine_map<(d0, d1) -> (0)>
module attributes {stable_mosaic.version = 14 : i64} {
  func.func @_sc_pool(%arg0: i32, %arg1: i32, %arg2: memref<2x100352xf32, #tpu.memory_space<hbm>>, %arg3: memref<819200xi32, #tpu.memory_space<hbm>>, %arg4: memref<2x16xf32, #tpu.memory_space<hbm>>, %arg5: memref<2x4096xf32, #tpu.memory_space<hbm>>, %arg6: memref<100352xf32, #tpu.memory_space<vmem>>, %arg7: memref<3200xi32, #tpu.memory_space<vmem>>, %arg8: memref<256xf32, #tpu.memory_space<vmem>>, %arg9: memref<16xf32, #tpu.memory_space<vmem>>) attributes {dimension_semantics = [#tpu.dimension_semantics<core_parallel>, #tpu.dimension_semantics<subcore_parallel>], iteration_bounds = array<i64: 2, 16>, scalar_prefetch = 0 : i64, scratch_operands = 4 : i64, tpu.core_type = #tpu.core_type<sc_vector_subcore>, window_params = [{transform_indices = #map}, {transform_indices = #map1}, {transform_indices = #map}, {transform_indices = #map}]} {
    %mul3A = arith.constant 256 : i32
    %mul3A_0 = arith.muli %arg1, %mul3A : i32
    "tpu.region"() ({
      %run_scoped3A = tpu.sem_alloc : memref<!tpu.dma_semaphore, #tpu.memory_space<semaphore_mem>>
      %dma_start3A = arith.constant 0 : i32
      %dma_start3A_6 = tpu.memref_slice %arg2[%arg0, %dma_start3A] : memref<2x100352xf32, #tpu.memory_space<hbm>> -> memref<1x100352xf32, #tpu.memory_space<hbm>>
      %dma_start3A_7 = tpu.memref_squeeze %dma_start3A_6 : memref<1x100352xf32, #tpu.memory_space<hbm>> -> memref<100352xf32, #tpu.memory_space<hbm>>
      %dma_start3A_8 = arith.constant 0 : i32
      %dma_start3A_9 = tpu.memref_slice %arg2[%arg0, %dma_start3A_8] : memref<2x100352xf32, #tpu.memory_space<hbm>> -> memref<1x100352xf32, #tpu.memory_space<hbm>>
      %dma_start3A_10 = tpu.memref_squeeze %dma_start3A_9 : memref<1x100352xf32, #tpu.memory_space<hbm>> -> memref<100352xf32, #tpu.memory_space<hbm>>
      tpu.enqueue_dma source(%dma_start3A_10 : memref<100352xf32, #tpu.memory_space<hbm>>) target(%arg6 : memref<100352xf32, #tpu.memory_space<vmem>>) target_semaphore(%run_scoped3A : memref<!tpu.dma_semaphore, #tpu.memory_space<semaphore_mem>>)
      %dma_wait3A = arith.constant 0 : i32
      %dma_wait3A_11 = tpu.memref_slice %arg2[%arg0, %dma_wait3A] : memref<2x100352xf32, #tpu.memory_space<hbm>> -> memref<1x100352xf32, #tpu.memory_space<hbm>>
      %dma_wait3A_12 = tpu.memref_squeeze %dma_wait3A_11 : memref<1x100352xf32, #tpu.memory_space<hbm>> -> memref<100352xf32, #tpu.memory_space<hbm>>
      %dma_wait3A_13 = arith.constant 0 : i32
      %dma_wait3A_14 = tpu.memref_slice %arg2[%arg0, %dma_wait3A_13] : memref<2x100352xf32, #tpu.memory_space<hbm>> -> memref<1x100352xf32, #tpu.memory_space<hbm>>
      %dma_wait3A_15 = tpu.memref_squeeze %dma_wait3A_14 : memref<1x100352xf32, #tpu.memory_space<hbm>> -> memref<100352xf32, #tpu.memory_space<hbm>>
      tpu.wait_dma2 semaphore(%run_scoped3A : memref<!tpu.dma_semaphore, #tpu.memory_space<semaphore_mem>>) src(%dma_wait3A_15 : memref<100352xf32, #tpu.memory_space<hbm>>) dst(%arg6 : memref<100352xf32, #tpu.memory_space<vmem>>)
      tpu.yield
    }) : () -> ()
    "tpu.region"() ({
      %run_scoped3A = tpu.sem_alloc : memref<!tpu.dma_semaphore, #tpu.memory_space<semaphore_mem>>
      %dma_start3A = arith.constant 0 : i32
      %dma_start3A_6 = tpu.memref_slice %arg4[%arg0, %dma_start3A] : memref<2x16xf32, #tpu.memory_space<hbm>> -> memref<1x16xf32, #tpu.memory_space<hbm>>
      %dma_start3A_7 = tpu.memref_squeeze %dma_start3A_6 : memref<1x16xf32, #tpu.memory_space<hbm>> -> memref<16xf32, #tpu.memory_space<hbm>>
      %dma_start3A_8 = arith.constant 0 : i32
      %dma_start3A_9 = tpu.memref_slice %arg4[%arg0, %dma_start3A_8] : memref<2x16xf32, #tpu.memory_space<hbm>> -> memref<1x16xf32, #tpu.memory_space<hbm>>
      %dma_start3A_10 = tpu.memref_squeeze %dma_start3A_9 : memref<1x16xf32, #tpu.memory_space<hbm>> -> memref<16xf32, #tpu.memory_space<hbm>>
      tpu.enqueue_dma source(%dma_start3A_10 : memref<16xf32, #tpu.memory_space<hbm>>) target(%arg9 : memref<16xf32, #tpu.memory_space<vmem>>) target_semaphore(%run_scoped3A : memref<!tpu.dma_semaphore, #tpu.memory_space<semaphore_mem>>)
      %dma_wait3A = arith.constant 0 : i32
      %dma_wait3A_11 = tpu.memref_slice %arg4[%arg0, %dma_wait3A] : memref<2x16xf32, #tpu.memory_space<hbm>> -> memref<1x16xf32, #tpu.memory_space<hbm>>
      %dma_wait3A_12 = tpu.memref_squeeze %dma_wait3A_11 : memref<1x16xf32, #tpu.memory_space<hbm>> -> memref<16xf32, #tpu.memory_space<hbm>>
      %dma_wait3A_13 = arith.constant 0 : i32
      %dma_wait3A_14 = tpu.memref_slice %arg4[%arg0, %dma_wait3A_13] : memref<2x16xf32, #tpu.memory_space<hbm>> -> memref<1x16xf32, #tpu.memory_space<hbm>>
      %dma_wait3A_15 = tpu.memref_squeeze %dma_wait3A_14 : memref<1x16xf32, #tpu.memory_space<hbm>> -> memref<16xf32, #tpu.memory_space<hbm>>
      tpu.wait_dma2 semaphore(%run_scoped3A : memref<!tpu.dma_semaphore, #tpu.memory_space<semaphore_mem>>) src(%dma_wait3A_15 : memref<16xf32, #tpu.memory_space<hbm>>) dst(%arg9 : memref<16xf32, #tpu.memory_space<vmem>>)
      tpu.yield
    }) : () -> ()
    %iota3A = tpu.iota {dimensions = array<i32: 0>} : vector<16xi32>
    %scan3A = arith.constant 0 : i32
    %scan3A_1 = arith.constant 0 : i32
    %scan3A_2 = arith.constant 16 : i32
    %scan3A_3 = arith.addi %scan3A_1, %scan3A_2 : i32
    %scan3A_4 = arith.constant 1 : i32
    scf.for %scan3A_6 = %scan3A_1 to %scan3A_3 step %scan3A_4  : i32 {
      %mul3A_7 = arith.constant 16 : i32
      %mul3A_8 = arith.muli %scan3A_6, %mul3A_7 : i32
      %add3A = arith.addi %mul3A_0, %mul3A_8 : i32
      %mul3A_9 = arith.constant 200 : i32
      %mul3A_10 = arith.muli %add3A, %mul3A_9 : i32
      "tpu.region"() ({
        %run_scoped3A = tpu.sem_alloc : memref<!tpu.dma_semaphore, #tpu.memory_space<semaphore_mem>>
        %dma_start3A = tpu.memref_slice %arg3[%mul3A_10] : memref<819200xi32, #tpu.memory_space<hbm>> -> memref<3200xi32, #tpu.memory_space<hbm>>
        %dma_start3A_24 = tpu.memref_slice %arg3[%mul3A_10] : memref<819200xi32, #tpu.memory_space<hbm>> -> memref<3200xi32, #tpu.memory_space<hbm>>
        tpu.enqueue_dma source(%dma_start3A_24 : memref<3200xi32, #tpu.memory_space<hbm>>) target(%arg7 : memref<3200xi32, #tpu.memory_space<vmem>>) target_semaphore(%run_scoped3A : memref<!tpu.dma_semaphore, #tpu.memory_space<semaphore_mem>>)
        %dma_wait3A = tpu.memref_slice %arg3[%mul3A_10] : memref<819200xi32, #tpu.memory_space<hbm>> -> memref<3200xi32, #tpu.memory_space<hbm>>
        %dma_wait3A_25 = tpu.memref_slice %arg3[%mul3A_10] : memref<819200xi32, #tpu.memory_space<hbm>> -> memref<3200xi32, #tpu.memory_space<hbm>>
        tpu.wait_dma2 semaphore(%run_scoped3A : memref<!tpu.dma_semaphore, #tpu.memory_space<semaphore_mem>>) src(%dma_wait3A_25 : memref<3200xi32, #tpu.memory_space<hbm>>) dst(%arg7 : memref<3200xi32, #tpu.memory_space<vmem>>)
        tpu.yield
      }) : () -> ()
      %mul3A_11 = arith.constant 200 : i32
      %mul3A_12 = vector.broadcast %mul3A_11 : i32 to vector<16xi32>
      %mul3A_13 = arith.muli %iota3A, %mul3A_12 : vector<16xi32>
      %get3A = arith.constant 0 : index
      %get3A_14 = tpu.vector_load %arg9[%get3A] {strides = array<i32>} : memref<16xf32, #tpu.memory_space<vmem>>, vector<16xf32>,
      %scan3A_15 = arith.constant 0 : i32
      %scan3A_16 = arith.constant 200 : i32
      %scan3A_17 = arith.addi %scan3A_15, %scan3A_16 : i32
      %scan3A_18 = arith.constant 1 : i32
      %scan3A_19 = scf.for %scan3A_24 = %scan3A_15 to %scan3A_17 step %scan3A_18 iter_args(%scan3A_25 = %get3A_14) -> (vector<16xf32>)  : i32 {
        %add3A_26 = vector.broadcast %scan3A_24 : i32 to vector<16xi32>
        %add3A_27 = arith.addi %mul3A_13, %add3A_26 : vector<16xi32>
        %gather3A = tpu.vector_load_idx %arg7[%add3A_27] : memref<3200xi32, #tpu.memory_space<vmem>>[vector<16xi32>], vector<16xi32>,
        %gather3A_28 = tpu.vector_load_idx %arg6[%gather3A] : memref<100352xf32, #tpu.memory_space<vmem>>[vector<16xi32>], vector<16xf32>,
        %add3A_29 = arith.addf %scan3A_25, %gather3A_28 : vector<16xf32>
        scf.yield %add3A_29 : vector<16xf32>
      }
      %scan3A_20 = arith.constant 200 : i32
      %mul3A_21 = arith.constant 16 : i32
      %mul3A_22 = arith.muli %scan3A_6, %mul3A_21 : i32
      %swap3A = arith.index_cast %mul3A_22 : i32 to index
      %swap3A_23 = tpu.vector_load %arg8[%swap3A] {strides = array<i32>} : memref<256xf32, #tpu.memory_space<vmem>>, vector<16xf32>,
      tpu.vector_store %arg8[%swap3A], %scan3A_19 {strides = array<i32>} : memref<256xf32, #tpu.memory_space<vmem>>, vector<16xf32>,
    }
    %scan3A_5 = arith.constant 16 : i32
    "tpu.region"() ({
      %run_scoped3A = tpu.sem_alloc : memref<!tpu.dma_semaphore, #tpu.memory_space<semaphore_mem>>
      %dma_start3A = tpu.memref_slice %arg5[%arg0, %mul3A_0] : memref<2x4096xf32, #tpu.memory_space<hbm>> -> memref<1x256xf32, #tpu.memory_space<hbm>>
      %dma_start3A_6 = tpu.memref_squeeze %dma_start3A : memref<1x256xf32, #tpu.memory_space<hbm>> -> memref<256xf32, #tpu.memory_space<hbm>>
      %dma_start3A_7 = tpu.memref_slice %arg5[%arg0, %mul3A_0] : memref<2x4096xf32, #tpu.memory_space<hbm>> -> memref<1x256xf32, #tpu.memory_space<hbm>>
      %dma_start3A_8 = tpu.memref_squeeze %dma_start3A_7 : memref<1x256xf32, #tpu.memory_space<hbm>> -> memref<256xf32, #tpu.memory_space<hbm>>
      tpu.enqueue_dma source(%arg8 : memref<256xf32, #tpu.memory_space<vmem>>) target(%dma_start3A_8 : memref<256xf32, #tpu.memory_space<hbm>>) target_semaphore(%run_scoped3A : memref<!tpu.dma_semaphore, #tpu.memory_space<semaphore_mem>>)
      %dma_wait3A = tpu.memref_slice %arg5[%arg0, %mul3A_0] : memref<2x4096xf32, #tpu.memory_space<hbm>> -> memref<1x256xf32, #tpu.memory_space<hbm>>
      %dma_wait3A_9 = tpu.memref_squeeze %dma_wait3A : memref<1x256xf32, #tpu.memory_space<hbm>> -> memref<256xf32, #tpu.memory_space<hbm>>
      %dma_wait3A_10 = tpu.memref_slice %arg5[%arg0, %mul3A_0] : memref<2x4096xf32, #tpu.memory_space<hbm>> -> memref<1x256xf32, #tpu.memory_space<hbm>>
      %dma_wait3A_11 = tpu.memref_squeeze %dma_wait3A_10 : memref<1x256xf32, #tpu.memory_space<hbm>> -> memref<256xf32, #tpu.memory_space<hbm>>
      tpu.wait_dma2 semaphore(%run_scoped3A : memref<!tpu.dma_semaphore, #tpu.memory_space<semaphore_mem>>) src(%arg8 : memref<256xf32, #tpu.memory_space<vmem>>) dst(%dma_wait3A_11 : memref<256xf32, #tpu.memory_space<hbm>>)
      tpu.yield
    }) : () -> ()
    return
  }
}

module attributes {stable_mosaic.version = 14 : i64} {
  func.func @_tc_project(%arg0: i32, %arg1: memref<128x2xf32, #tpu.memory_space<vmem>>, %arg2: memref<2048x128xf32, #tpu.memory_space<vmem>>, %arg3: memref<2x2048xf32, #tpu.memory_space<vmem>>) attributes {dimension_semantics = [#tpu.dimension_semantics<arbitrary>], iteration_bounds = array<i64: 49>, scalar_prefetch = 0 : i64, scratch_operands = 0 : i64, tpu.core_type = #tpu.core_type<tc>, window_params = [{pipeline_mode = #tpu.pipeline_mode<synchronous>, transform_indices = @transform_0, window_bounds = array<i64: 128, 2>}, {transform_indices = @transform_1, window_bounds = array<i64: 2048, 128>}, {transform_indices = @transform_2, window_bounds = array<i64: 2, 2048>}]} {
    %get3A = arith.constant 0 : index
    %get3A_0 = arith.constant 0 : index
    %get3A_1 = vector.load %arg1[%get3A, %get3A_0] : memref<128x2xf32, #tpu.memory_space<vmem>>, vector<128x2xf32>
    %get3A_2 = arith.constant 0 : index
    %get3A_3 = arith.constant 0 : index
    %get3A_4 = vector.load %arg2[%get3A_2, %get3A_3] : memref<2048x128xf32, #tpu.memory_space<vmem>>, vector<2048x128xf32>
    %dot_general3A = arith.constant dense<0.000000e+00> : vector<2x2048xf32>
    %dot_general3A_5 = tpu.matmul %get3A_1, %get3A_4, %dot_general3A {dimension_numbers = #tpu.dot_dimension_numbers<[0], [1], [1], [0], [0, 1, 1, 0], [], []>, transpose_lhs_hint = false} : vector<128x2xf32>, vector<2048x128xf32>, vector<2x2048xf32> -> vector<2x2048xf32>
    %mul3A = arith.constant 5.000000e-03 : f32
    %mul3A_6 = vector.broadcast %mul3A : f32 to vector<2x2048xf32>
    %mul3A_7 = arith.mulf %dot_general3A_5, %mul3A_6 : vector<2x2048xf32>
    %swap3A = arith.constant 0 : index
    %swap3A_8 = arith.constant 0 : index
    %swap3A_9 = vector.load %arg3[%swap3A, %swap3A_8] : memref<2x2048xf32, #tpu.memory_space<vmem>>, vector<2x2048xf32>
    tpu.vector_store %arg3[%swap3A, %swap3A_8], %mul3A_7 {strides = array<i32>} : memref<2x2048xf32, #tpu.memory_space<vmem>>, vector<2x2048xf32>,
    return
  }
  func.func @transform_0(%arg0: i32) -> (i32, i32) {
    %c0_i32 = arith.constant 0 : i32
    %c0_i32_0 = arith.constant 0 : i32
    %c0_i32_1 = arith.constant 0 : i32
    return %c0_i32, %c0_i32_0 : i32, i32
  }
  func.func @transform_1(%arg0: i32) -> (i32, i32) {
    %c0_i32 = arith.constant 0 : i32
    %c0_i32_0 = arith.constant 0 : i32
    return %arg0, %c0_i32 : i32, i32
  }
  func.func @transform_2(%arg0: i32) -> (i32, i32) {
    %c0_i32 = arith.constant 0 : i32
    %c0_i32_0 = arith.constant 0 : i32
    return %c0_i32, %arg0 : i32, i32
  }
}

</mosaic_0001>

<sc_bundles>
// kernel: kernel.4.cloned.1.call-start
scs
__scs_entry_jumppad:
0x0: {  	(pc) =	sbr.rel $0x88, $3  }
0x1: {  	(tag) =	ssettag $0x0;
	lr =	simm.s32 $0x1  }
0x2: {  	[smem:$0x3F9D] =	sst lr;
	_ =	strace $0xD0000000  }
0x3: {  	_ = 	snop  }
0x4: {  	_ = 	snop  }
0x5: {  	_ = 	snop  }
0x6: {  	_ = 	snop  }
0x7: {  	_ = 	snop  }
__scs_overlays_trampoline_lowered:
0x8: {  	[smem:$0x3FAC] =	sst s0  }
0x9: {  	[smem:$0x3FAD] =	sst s1  }
0xa: {  	[smem:$0x3FAE] =	sst s2  }
0xb: {  	[smem:$0x3FAF] =	sst s3  }
0xc: {  	[smem:$0x3FB0] =	sst s4  }
0xd: {  	[smem:$0x3FB1] =	sst s5  }
0xe: {  	[smem:$0x3FB2] =	sst s6  }
0xf: {  	[smem:$0x3FB3] =	sst s7  }
0x10: {  	[smem:$0x3FB4] =	sst s8  }
0x11: {  	[smem:$0x3FB5] =	sst s9;
	s0 =	simm.s32 @!p0 $0x0  }
0x12: {  	s1 =	sld [smem:$0x3F9B];
	s0 =	simm.s32 @p0 $0x1  }
0x13: {  	[smem:$0x3FB6] =	sst s0;
	s0 =	simm.s32 @!p1 $0x0  }
0x14: {  	s2 =	sld [smem:$0x3F9A];
	s0 =	simm.s32 @p1 $0x1  }
0x15: {  	[smem:$0x3FB7] =	sst s0;
	s0 =	simm.s32 @!p2 $0x0  }
0x16: {  	s3 =	sld [smem:$0x3FDB];
	s0 =	simm.s32 @p2 $0x1  }
0x17: {  	s4 =	simm.s32 $0x1BF5;
	[smem:$0x3FB9] =	sst s0  }
0x18: {  	s0 =	sld [smem:$0x3F9C];
	_ =	swait.ge [sflag:s4], $0x0  }
0x19: {  	s7 =	sld [smem:$0x3F9D]  }
0x1a: {  	s8 =	sadd.s32 $0xFFFFE003, lr  }
0x1b: {  	s9 =	sadd.s32 $0xFFFFFEF7, lr;
	s5 =	simm.s32 $0xFFFFFFFF;
	p2 =	slt.u32 s8, $0xFFFFF086  }
0x1c: {  	p1 =	slt.u32 s9, $0xF7A;
	s5 =	simm.s32 @!p2 $0x0  }
0x1d: {  	s5 =	simm.s32 @p1 $0x1;
	p0 =	seq.s32 s7, s2  }
0x1e: {  	s7 =	smul.u32 @!p0 $0xF7A, s2;
	p2 =	seq.s32 @!p0 s5, $0x0  }
0x1f: {  	s9 =	smul.u32 $0xF7A, s1;
	s8 =	simm.s32 @!p0 $0x1BF5;
	p2 =	por !p2, p0  }
0x20: {  	[sflag:s8] =	ssyncset.s32 @!p0 $0xFFFFF086;
	s6 =	sadd.s32 @!p0 s3, s7;
	s7 =	simm.s32 @!p0 $0x108  }
0x21: {  	s3 =	sadd.s32 s3, s9;
	s6 =	sadd.s32 @!p0 $0x88, s6;
	s7 =	simm.s32 @p2 $0x1082  }
0x22: {  	[simem:s7], [sflag:s8] =	dma.local @!p0 [hbm:s6], $0xF7A  }
0x23: {  	s9 =	sor.u32 $0xD0000000, s2;
	s6 =	simm.s32 $0x108;
	_ =	swait.ge @!p0 [sflag:s8], $0x0  }
0x24: {  	s3 =	sadd.s32 $0x88, s3;
	s6 =	simm.s32 @!p1 $0x1082;
	[sflag:s4] =	ssyncset.s32 $0xFFFFF086  }
0x25: {  	[simem:s6], [sflag:s4] =	dma.local [hbm:s3], $0xF7A  }
0x26: {  	[smem:$0x3F9D] =	sst s1;
	(tag) =	ssettag s2;
	_ =	strace s9  }
0x27: {  	s1 =	sld [smem:$0x3FAD]  }
0x28: {  	s2 =	sld [smem:$0x3FAE]  }
0x29: {  	s4 =	sld [smem:$0x3FB0]  }
0x2a: {  	p0 =	seq.s32 s5, $0x0;
	s5 =	sld [smem:$0x3FB1]  }
0x2b: {  	s6 =	sld [smem:$0x3FB2]  }
0x2c: {  	s7 =	sld [smem:$0x3FB3]  }
0x2d: {  	s3 =	simm.s32 $0x108;
	s8 =	sld [smem:$0x3FB4]  }
0x2e: {  	s3 =	simm.s32 @!p0 $0x1082;
	s9 =	sld [smem:$0x3FB5]  }
0x2f: {  	lr =	sadd.s32 s0, s3;
	s0 =	sld [smem:$0x3FAC]  }
0x30: {  	s3 =	sld [smem:$0x3FAF]  }
0x31: {  	[smem:$0x3FB8] =	sst s10  }
0x32: {  	s10 =	sld [smem:$0x3FB6];
	_ =	sdelay $0x3  }
0x33: {  	p0 =	seq.s32 s10, $0x1;
	s10 =	sld [smem:$0x3FB8];
	_ =	sdelay $0x3  }
0x34: {  	[smem:$0x3FB8] =	sst s10  }
0x35: {  	s10 =	sld [smem:$0x3FB7];
	_ =	sdelay $0x3  }
0x36: {  	p1 =	seq.s32 s10, $0x1;
	s10 =	sld [smem:$0x3FB8];
	_ =	sdelay $0x3  }
0x37: {  	[smem:$0x3FB8] =	sst s10  }
0x38: {  	s10 =	sld [smem:$0x3FB9]  }
0x39: {  	_ = 	snop;
	(pc) =	sbr.ind lr, $3  }
0x3a: {  	_ = 	snop  }
0x3b: {  	_ = 	snop  }
0x3c: {  	p2 =	seq.s32 s10, $0x1;
	s10 =	sld [smem:$0x3FB8]  }
0x3d: {  	_ =	shalt  }
0x3e: {  	_ =	shalt  }
0x3f: {  	_ =	shalt  }
0x40: {  	_ =	shalt  }
0x41: {  	_ =	shalt  }
0x42: {  	_ =	shalt  }
0x43: {  	_ =	shalt  }
0x44: {  	_ =	shalt  }
0x45: {  	_ =	shalt  }
0x46: {  	_ =	shalt  }
0x47: {  	_ =	shalt  }
0x48: {  	_ =	shalt  }
0x49: {  	_ =	shalt  }
0x4a: {  	_ =	shalt  }
0x4b: {  	_ =	shalt  }
0x4c: {  	_ =	shalt  }
0x4d: {  	_ =	shalt  }
0x4e: {  	_ =	shalt  }
0x4f: {  	_ =	shalt  }
0x50: {  	_ =	shalt  }
0x51: {  	_ =	shalt  }
0x52: {  	_ =	shalt  }
0x53: {  	_ =	shalt  }
0x54: {  	_ =	shalt  }
0x55: {  	_ =	shalt  }
0x56: {  	_ =	shalt  }
0x57: {  	_ =	shalt  }
0x58: {  	_ =	shalt  }
0x59: {  	_ =	shalt  }
0x5a: {  	_ =	shalt  }
0x5b: {  	_ =	shalt  }
0x5c: {  	_ =	shalt  }
0x5d: {  	_ =	shalt  }
0x5e: {  	_ =	shalt  }
0x5f: {  	_ =	shalt  }
0x60: {  	_ =	shalt  }
0x61: {  	_ =	shalt  }
0x62: {  	_ =	shalt  }
0x63: {  	_ =	shalt  }
0x64: {  	_ =	shalt  }
0x65: {  	_ =	shalt  }
0x66: {  	_ =	shalt  }
0x67: {  	_ =	shalt  }
0x68: {  	_ =	shalt  }
0x69: {  	_ =	shalt  }
0x6a: {  	_ =	shalt  }
0x6b: {  	_ =	shalt  }
0x6c: {  	_ =	shalt  }
0x6d: {  	_ =	shalt  }
0x6e: {  	_ =	shalt  }
0x6f: {  	_ =	shalt  }
0x70: {  	_ =	shalt  }
0x71: {  	_ =	shalt  }
0x72: {  	_ =	shalt  }
0x73: {  	_ =	shalt  }
0x74: {  	_ =	shalt  }
0x75: {  	_ =	shalt  }
0x76: {  	_ =	shalt  }
0x77: {  	_ =	shalt  }
0x78: {  	_ =	shalt  }
0x79: {  	_ =	shalt  }
0x7a: {  	_ =	shalt  }
0x7b: {  	_ =	shalt  }
0x7c: {  	_ =	shalt  }
0x7d: {  	_ =	shalt  }
0x7e: {  	_ =	shalt  }
0x7f: {  	_ =	shalt  }
0x80: {  	_ =	shalt  }
0x81: {  	_ =	shalt  }
0x82: {  	_ =	shalt  }
0x83: {  	_ =	shalt  }
0x84: {  	_ =	shalt  }
0x85: {  	_ =	shalt  }
0x86: {  	_ =	shalt  }
0x87: {  	_ =	shalt  }
.Lfunc_end0:
.L_simem_size_0:
called_computation_lowered:
.L_overlay_start_0:
0x88: {  	s2 =	sld [smem:$0x3FD9]  }
0x89: {  	s3 =	sld [smem:$0x3FFE];
	_ =	sdelay $0x1  }
0x8a: {  	s1 =	srdreg.scid  }
0x8b: {  	s0 =	sand.u32 $0x1, s1  }
0x8c: {  	s17 =	sshll.u32 s0, $0xA;
	s2 =	sadd.s32 s3, s2  }
0x8d: {  	s2 =	sadd.s32 s2, s17  }
0x8e: {  	[smem:$0x3FC4] =	sst s2  }
0x8f: {  	_ = 	snop  }
0x90: {  	s2 =	sld [smem:$0x3FD0];
	(tm) =	ssettm $0x1  }
0x91: {  	s18 =	sld [smem:$0x3FFB];
	_ =	sdelay $0x3  }
0x92: {  	_ =	strace s18  }
0x93: {  	s3 =	sld [smem:$0x3FFC];
	_ =	sdelay $0x3  }
0x94: {  	_ =	strace s3  }
0x95: {  	s3 =	sld [smem:$0x3FFD];
	_ =	sdelay $0x3  }
0x96: {  	_ =	strace s3  }
0x97: {  	_ =	strace $0x8FFFFFFF  }
0x98: {  	s19 =	sld [smem:$0x3FDB];
	_ =	sdelay $0x1  }
0x99: {  	s4 =	simm.s32 $_scs_section_size  }
0x9a: {  	s5 =	simm.s32 $_size__tile_overlayer_lowered;
	s6 =	simm.s32 $_tile_overlayer_lowered  }
0x9b: {  	s22 =	simm.s32 $0x1BFF;
	s21 =	sshll.u32 s6, $0x1;
	s3 =	sadd.s32 s4, s19  }
0x9c: {  	s7 =	simm.s32 $0x0;
	s20 =	sshll.u32 s5, $0x1;
	s5 =	sadd.s32 s21, s3  }
0x9d: {  	[timem:s7], [sflag:s22] =	dma.local [hbm:s5], s20  }
0x9e: {  	_ =	swait.ge [sflag:s22], s20  }
0x9f: {  	s4 =	ssub.s32 $0x0, s20;
	[sflag:s22] =	ssyncset.done $0x0  }
0xa0: {  	[sflag:s22] =	ssyncadd.s32 s4;
	_ =	sdelay $0x1  }
0xa1: {  	s23 =	simm.s32 $0x1B8B  }
0xa2: {  	_ =	swait.ge [sflag:s23], $0x1  }
0xa3: {  	[sflag:s23] =	ssyncset.done $0x0  }
0xa4: {  	s25 =	simm.s32 $0x1B8E;
	s24 =	sld [smem:$0x3FFE];
	[sflag:s23] =	ssyncadd.s32 $0xFFFFFFFF  }
0xa5: {  	s26 =	simm.s32 $execute0_lowered;
	[smem:$0x3FD2] =	sst s25  }
0xa6: {  	s5 =	sshll.u32 s26, $0x1;
	_ =	strace $0x80000046;
	[dreg:$0x1] =	wrdreg $0xFFFFFFFF  }
0xa7: {  	s28 =	simm.s32 $_size_execute0_lowered;
	s3 =	sadd.s32 s3, s5;
	[dreg:$0x0] =	wrdreg $0x0  }
0xa8: {  	s5 =	sshll.u32 s28, $0x1;
	[dreg:$0x2] =	wrdreg s3  }
0xa9: {  	[dreg:$0x3] =	wrdreg s5  }
0xaa: {  	[dreg:$0x4] =	wrdreg $0xC0  }
0xab: {  	_ =	task [dreg:s7], $0x5FFFF  }
0xac: {  	[dreg:$0x1] =	wrdreg $0xFFFFFFFF  }
0xad: {  	[dreg:$0x0] =	wrdreg $0x60  }
0xae: {  	[dreg:$0x2] =	wrdreg s24  }
0xaf: {  	[dreg:$0x3] =	wrdreg s2  }
0xb0: {  	[dreg:$0x4] =	wrdreg $0x9  }
0xb1: {  	_ =	task.clear_ibuf [dreg:s7], $0x5FFFF;
	_ =	strace $0x90000046  }
0xb2: {  	s29 =	simm.s32 $0x9;
	_ =	strace $0x80000048  }
0xb3: {  	_ =	swait.ge [sflag:s29], $0x1  }
0xb4: {  	[sflag:s29] =	ssyncadd.s32 $0xFFFFFFFF  }
0xb5: {  	_ =	strace $0x90000048  }
0xb6: {  	_ =	sfence  }
0xb7: {  	s30 =	sld [smem:$0x0];
	_ =	sdelay $0x2  }
0xb8: {  	s31 =	sshll.u32 s1, $0xD;
	s1 =	sshrl.u32 s1, $0x2  }
0xb9: {  	s3 =	sand.u32 $0x4000, s31;
	s1 =	sadd.s32 s1, s30  }
0xba: {  	s0 =	sor.u32 s3, s0;
	s1 =	sshll.u32 s1, $0x11  }
0xbb: {  	s0 =	sor.u32 s1, s0  }
0xbc: {  	s0 =	sadd.s32 $0x8F2B, s0  }
0xbd: {  	[sflag:s0] =	ssyncadd.remote.s32 $0x1  }
0xbe: {  	_ =	sfence.sel $0xFFFF  }
0xbf: {  	[dreg:$0x0] =	wrdreg $0xFFFFFFFF;
	(pc) =	sbr.abs _section_cstart, $3  }
0xc0: {  	[dreg:$0x1] =	wrdreg $0xFFFFFFFF  }
0xc1: {  	_ =	task.clear_ibuf [dreg:s7], $0x2FFFF;
	_ =	strace $0x9FFFFFFF  }
0xc2: {  	(tm) =	ssettm $0x7FFFFFFF  }
0xc3: {  	_ =	shalt  }
tec
execute0_lowered:
.L_overlay_start_1:
0x0: {  	(tag) =	ssettag $0x1  }
0x1: {  	s2 =	rddreg [dreg:$0x0]  }
0x2: {  	s7 =	rddreg [dreg:$0x1]  }
0x3: {  	s0 =	rddreg [dreg:$0x2]  }
0x4: {  	s1 =	simm.s32 $0x0;
	s3 =	srdreg.scid;
	s11 =	simm.s32 $0x1  }
0x5: {  	s12 =	simm.s32 $0x19580;
	s13 =	simm.s32 $0x18800;
	s14 =	simm.s32 $0x19480  }
0x6: {  	s15 =	simm.s32 $0x0;
	s19 =	simm.s32 $0x0;
	s4 =	sand.u32 $0x1, s3  }
0x7: {  	[smem:$0x7FF] =	sst s1;
	s3 =	sadd.s32 $0xA00, s2;
	s8 =	sshll.u32 s4, $0x4  }
0x8: {  	_ =	strace $0x80000047;
	s4 =	ssub.s32 $0x2, s4;
	s6 =	sadd.s32 s8, s2  }
0x9: {  	s2 =	stileid.u32;
	s5 =	sshrl.u32 s4, $0x1;
	s7 =	sadd.s32 s7, s8  }
0xa: {  	s9 =	ssub.s32 s4, s5;
	s4 =	sshll.u32 s2, $0x8;
	s10 =	sshll.u32 s2, $0x6  }
0xb: {  	v0 =	vlaneseq.u32;
	s5 =	sadd.s32 $0x19A00, s6;
	s6 =	sadd.s32 $0x1FC00, s6;
	s7 =	sadd.s32 s10, s7  }
0xc: {  	v0 =	vmul.u32 $0xC8, v0;
	s8 =	smax.u32 s9, $0x1;
	s9 =	simm.s32 $0x80;
	s10 =	simm.s32 $0x100  }
.LBB2_1:
0xd: {  	[tilespmem:s1], [sflag:$0x1] =	stream.strided.gather [hbm4b:s5+s9], $0x18800, s10, s9, $0x38;
	[tilespmem:$0x19600] =	vst v63  }
0xe: {  	_ =	swait.ge [sflag:s11], $0x18800  }
0xf: {  	[sflag:s11] =	ssyncset.done $0x0  }
0x10: {  	[sflag:s11] =	ssyncadd.s32 $0xFFFE7800  }
0x11: {  	[tilespmem:s12], [sflag:$0x1] =	stream.linear.gather [hbm4b:s6+s1], $0x80, $0x38;
	[tilespmem:$0x19600] =	vst v63  }
0x12: {  	_ =	swait.ge [sflag:s11], $0x80  }
0x13: {  	[sflag:s11] =	ssyncset.done $0x0  }
0x14: {  	s16 =	simm.s32 $0x0;
	[sflag:s11] =	ssyncadd.s32 $0xFFFFFF80  }
.LBB2_2:
0x15: {  	s17 =	sshll.u32 s16, $0x4  }
0x16: {  	s18 =	sadd.s32 s4, s17  }
0x17: {  	s18 =	smul.u32 $0x19, s18;
	_ =	sdelay $0x1  }
0x18: {  	v1 =	vadd.s32 s19, v0;
	s18 =	sadd.s32 s3, s18  }
0x19: {  	[tilespmem:s13], [sflag:$0x1] =	stream.linear.gather [hbm4b:s18+s19], $0xC80, $0x38;
	[tilespmem:$0x19600] =	vst v63  }
0x1a: {  	_ =	swait.ge [sflag:s11], $0xC80  }
0x1b: {  	[sflag:s11] =	ssyncset.done $0x0  }
0x1c: {  	[sflag:s11] =	ssyncadd.s32 $0xFFFFF380  }
0x1d: {  	v2 =	vld.idx.msk [tilespmem:v1+s13+$0x0], $0xffff  }
0x1e: {  	s30 =	simm.s32 $0x1  }
0x1f: {  	v3 =	vadd.s32 s30, v0;
	_ =	sdelay $0x3  }
0x20: {  	v1 =	vld [tilespmem:$0x19580]  }
0x21: {  	v3 =	vld.idx.msk [tilespmem:v3+s13+$0x0], $0xffff  }
0x22: {  	v2 =	vld.idx.msk [tilespmem:v2+s1+$0x0], $0xffff;
	_ =	sdelay $0x2  }
0x23: {  	s31 =	simm.s32 $0x2  }
0x24: {  	v4 =	vadd.s32 s31, v0;
	s18 =	simm.s32 $0x3  }
.LBB2_3:
0x25: {  	p0 =	sne.s32 s18, $0xC7;
	v1 =	vadd.f32 v2, v1;
	_ =	sdelay $0x2  }
0x26: {  	v2 =	vld.idx.msk [tilespmem:v3+s1+$0x0], $0xffff  }
.Ltmp0:
0x27: {  	v3 =	vld.idx.msk [tilespmem:v4+s13+$0x0], $0xffff;
	(pc) =	sbr.rel @p0 .LBB2_3-.Ltmp0, $2  }
0x28: {  	_ =	sdelay $0x2  }
0x29: {  	v4 =	vadd.s32 s18, v0;
	s18 =	sadd.s32 $0x1, s18  }
0x2a: {  	_ =	sdelay $0x3  }
0x2b: {  	v4 =	vld.idx.msk [tilespmem:v4+s13+$0x0], $0xffff;
	_ =	sdelay $0x5  }
0x2c: {  	v3 =	vld.idx.msk [tilespmem:v3+s1+$0x0], $0xffff;
	_ =	sdelay $0x1  }
0x2d: {  	v4 =	vld.idx.msk [tilespmem:v4+s1+$0x0], $0xffff  }
0x2e: {  	v1 =	vadd.f32 v2, v1;
	s16 =	sadd.s32 $0x1, s16  }
0x2f: {  	p0 =	sne.s32 s16, $0x10  }
.Ltmp1:
0x30: {  	v1 =	vadd.f32 v3, v1;
	(pc) =	sbr.rel @p0 .LBB2_2-.Ltmp1, $3  }
0x31: {  	_ = 	snop  }
0x32: {  	v1 =	vadd.f32 v4, v1;
	_ =	sdelay $0x1  }
0x33: {  	[tilespmem:s17+$0x19480] =	vst v1  }
0x34: {  	s15 =	sadd.s32 $0x1, s15  }
0x35: {  	p0 =	sne.s32 s15, s8  }
.Ltmp2:
0x36: {  	_ = 	snop;
	(pc) =	sbr.rel @p0 .LBB2_1-.Ltmp2, $4  }
0x37: {  	[hbm4b:s7+s9] =	stream.strided.scatter [tilespmem:s14], [sflag:$0x1], $0x100, s10, s9, $0x38;
	[tilespmem:$0x19600] =	vst v63  }
0x38: {  	_ =	swait.ge [sflag:s11], $0x100  }
0x39: {  	[sflag:s11] =	ssyncset.done $0x0  }
0x3a: {  	[sflag:s11] =	ssyncadd.s32 $0xFFFFFF00  }
0x3b: {  	_ =	sfence.sel $0x180000  }
0x3c: {  	[bflag:$0x0] =	sbarrier.arrive $0xFFFF  }
0x3d: {  	p0 =	sne.s32 s2, $0x0;
	_ =	strace $0x90000047  }
0x3e: {  	s0 =	sadd.s32 @!p0 $0x100000, s0;
	[bflag:$0x2] =	sbarrier.arrive $0xFFFF  }
0x3f: {  	[sflag:s0] =	ssyncadd.tile.s32 @!p0 $0x1;
	_ =	shalt  }
.Lfunc_end2:
_tile_overlayer_lowered:
.L_overlay_start_2:
0x40: {  	(tag) =	ssettag $0x2  }
0x41: {  	s0 =	rddreg [dreg:$0x0];
	s2 =	stileid.u32  }
0x42: {  	s1 =	rddreg [dreg:$0x1];
	p0 =	sne.s32 s2, $0x0  }
0x43: {  	s3 =	rddreg [dreg:$0x2];
	[bflag:$0x3] =	sbarrier.arrive $0xFFFF;
	s2 =	simm.s32 @!p0 $0x1C01  }
0x44: {  	[timem:s3], [sflag:s2] =	dma.local @!p0 [hbm:s0], s1  }
0x45: {  	s0 =	simm.s32 @!p0 $0x1  }
0x46: {  	_ =	swait.ge @!p0 [sflag:s0], s1  }
0x47: {  	s1 =	ssub.s32 @!p0 $0x0, s1;
	[sflag:s0] =	ssyncset.done @!p0 $0x0  }
0x48: {  	[sflag:s0] =	ssyncadd.s32 @!p0 s1  }
0x49: {  	[bflag:$0x3] =	sbarrier.arrive $0xFFFF  }
0x4a: {  	_ =	shalt  }

</sc_bundles>
